<compile_context>
chip_gen: v7x
topology: tpu7x:2x2x1
jax: 0.10.2.dev20260603
libtpu: 0.0.44.dev20260713+nightly
codegen_flags: <defaults>
</compile_context>

<pallas_src>
import jax
import jax.numpy as jnp
from jax.experimental import pallas as pl
from jax.experimental.pallas import tpu as pltpu

_BEAM = 32
_SEQ = 200
_VOCAB = 1000000
_CHUNK = 512
_BLOCK_V = 16384
_CHUNKS_PER_BLOCK = _BLOCK_V // _CHUNK
_NBLK = pl.cdiv(_VOCAB, _BLOCK_V)
_NEG_INF = float("-inf")
_BIG = 2**30


def _chunk_max_kernel(dec_ref, m_ref):
    i = pl.program_id(0)
    x = dec_ref[...]
    col = jax.lax.broadcasted_iota(jnp.int32, x.shape, 1) + i * _BLOCK_V
    x = jnp.where(col < _VOCAB, x, 0.0)
    m = jnp.max(x.reshape(_BEAM, _CHUNKS_PER_BLOCK, _CHUNK), axis=2)
    m_ref[...] = m.reshape(1, _BEAM, _CHUNKS_PER_BLOCK)


def _select_chunks_kernel(m_ref, lv_ref, scores_ref, selb_ref, selc_ref):
    m = m_ref[...]
    v = lv_ref[...] + scores_ref[...][None, :, :]
    blk = jax.lax.broadcasted_iota(jnp.int32, v.shape, 0)
    beam = jax.lax.broadcasted_iota(jnp.int32, v.shape, 1)
    loc = jax.lax.broadcasted_iota(jnp.int32, v.shape, 2)
    chunk = blk * _CHUNKS_PER_BLOCK + loc
    row = jax.lax.broadcasted_iota(jnp.int32, (_BEAM, 128), 0)

    def body(j, carry):
        v, selb, selc = carry
        top = jnp.max(v)
        hit = v == top
        b = jnp.min(jnp.where(hit, beam, _BIG))
        hit = hit & (beam == b)
        pm = jnp.max(jnp.where(hit, m, _NEG_INF))
        hit = hit & (m == pm)
        c = jnp.min(jnp.where(hit, chunk, _BIG))
        selb = jnp.where(row == j, b, selb)
        selc = jnp.where(row == j, c, selc)
        v = jnp.where((beam == b) & (chunk == c), _NEG_INF, v)
        return v, selb, selc

    zero = jnp.zeros((_BEAM, 128), jnp.int32)
    _, selb, selc = jax.lax.fori_loop(0, _BEAM, body, (v, zero, zero))
    selb_ref[...] = selb
    selc_ref[...] = selc


def _gather_kernel(bsel_ref, csel_ref, dec_ref, out_ref):
    del bsel_ref, csel_ref
    out_ref[...] = dec_ref[...]


def _merge_kernel(g_ref, lg_ref, bsel_ref, csel_ref, scores_ref, gen_ref,
                  step_ref, gen_out_ref, scores_out_ref):
    g = g_ref[...]
    colg = jax.lax.broadcasted_iota(jnp.int32, g.shape, 1)
    beammat = bsel_ref[...]
    cstart = csel_ref[...] * _CHUNK
    c32i = jax.lax.broadcasted_iota(jnp.int32, (_BEAM, _BEAM), 1)
    r32 = jax.lax.broadcasted_iota(jnp.int32, (_BEAM, _BEAM), 0)
    onehot = (beammat == c32i).astype(jnp.float32)
    chunk_scores = jax.lax.dot(onehot, scores_ref[...],
                               precision=jax.lax.Precision.HIGHEST,
                               preferred_element_type=jnp.float32)
    vocab_pos = cstart + colg
    beam_pos = beammat + jnp.zeros_like(colg)
    val = jnp.where(vocab_pos < _VOCAB, lg_ref[...] + chunk_scores, _NEG_INF)

    row200 = jax.lax.broadcasted_iota(jnp.int32, (_BEAM, 128), 0)
    R = jnp.zeros((_BEAM, _BEAM), jnp.float32)
    toks = jnp.zeros((_BEAM, 128), jnp.int32)
    sc_out = jnp.zeros((_BEAM, 128), jnp.float32)

    def extract(j, carry):
        val, R, toks, sc_out = carry
        top = jnp.max(val)
        hit = val == top
        b = jnp.min(jnp.where(hit, beam_pos, _BIG))
        hit = hit & (beam_pos == b)
        pm = jnp.max(jnp.where(hit, g, _NEG_INF))
        hit = hit & (g == pm)
        token = jnp.min(jnp.where(hit, vocab_pos, _BIG))
        R = jnp.where((r32 == j) & (c32i == b), 1.0, R)
        toks = jnp.where(row200 == j, token, toks)
        sc_out = jnp.where(row200 == j, top, sc_out)
        val = jnp.where((beam_pos == b) & (vocab_pos == token),
                        _NEG_INF, val)
        return val, R, toks, sc_out

    _, R, toks, sc_out = jax.lax.fori_loop(0, _BEAM, extract,
                                           (val, R, toks, sc_out))

    gen = gen_ref[...]
    reordered = jax.lax.dot(R, gen.astype(jnp.float32),
                            precision=jax.lax.Precision.HIGHEST,
                            preferred_element_type=jnp.float32)
    reordered = reordered.astype(jnp.int32)
    cols = jax.lax.broadcasted_iota(jnp.int32, (_BEAM, _SEQ), 1)
    step = step_ref[0, 0]
    out = jnp.where(cols < step, reordered, gen)
    out = jnp.where(cols == step, toks[:, 0:1], out)
    gen_out_ref[...] = out
    scores_out_ref[...] = sc_out


def kernel(dec_output, scores, gen_seq, step):
    dec2 = dec_output.reshape(_BEAM, _VOCAB)
    chunk_max = pl.pallas_call(
        _chunk_max_kernel,
        grid=(_NBLK,),
        in_specs=[pl.BlockSpec((_BEAM, _BLOCK_V), lambda i: (0, i))],
        out_specs=pl.BlockSpec((1, _BEAM, _CHUNKS_PER_BLOCK),
                               lambda i: (i, 0, 0)),
        out_shape=jax.ShapeDtypeStruct((_NBLK, _BEAM, _CHUNKS_PER_BLOCK),
                                       jnp.float32),
    )(dec2)

    scores31 = scores.reshape(_BEAM, 1)
    selb, selc = pl.pallas_call(
        _select_chunks_kernel,
        out_shape=(jax.ShapeDtypeStruct((_BEAM, 128), jnp.int32),
                   jax.ShapeDtypeStruct((_BEAM, 128), jnp.int32)),
    )(chunk_max, jnp.log(chunk_max), scores31)
    bsel = selb[:, 0]
    csel = selc[:, 0]

    gathered = pl.pallas_call(
        _gather_kernel,
        grid_spec=pltpu.PrefetchScalarGridSpec(
            num_scalar_prefetch=2,
            grid=(_BEAM,),
            in_specs=[pl.BlockSpec((1, 1, _CHUNK),
                                   lambda i, b, c: (b[i], 0, c[i]))],
            out_specs=pl.BlockSpec((1, 1, _CHUNK), lambda i, b, c: (i, 0, 0)),
        ),
        out_shape=jax.ShapeDtypeStruct((_BEAM, 1, _CHUNK), jnp.float32),
    )(bsel, csel, dec_output)
    g = gathered.reshape(_BEAM, _CHUNK)

    step_arr = jnp.asarray(step, jnp.int32).reshape(1, 1)
    gen_out, scores_mat = pl.pallas_call(
        _merge_kernel,
        out_shape=(jax.ShapeDtypeStruct((_BEAM, _SEQ), jnp.int32),
                   jax.ShapeDtypeStruct((_BEAM, 128), jnp.float32)),
    )(g, jnp.log(g), bsel.reshape(_BEAM, 1), csel.reshape(_BEAM, 1),
      scores31, gen_seq, step_arr)
    return gen_out, scores_mat[:, 0]

# --- scband reference (transcript-rebuilt; emitter-appended) ---
"""Pipeline reference for scband-translator-33904471835162 (READ-ONLY COPY).

The authoritative reference and input builder live on the scoring server;
editing this copy changes nothing except your own understanding.
"""

import jax, jax.numpy as jnp
import numpy as np

BEAM_SIZE = 32
MAX_SEQ_LEN = 200
VOCAB = 1000000
STEP = 100


def setup_inputs(seed: int = 0) -> dict:
    key = jax.random.key(seed)
    k1, k2, k3 = jax.random.split(key, 3)
    # dec_output is a softmax output in the original model -> strictly positive
    dec_output = jax.random.uniform(k1, (BEAM_SIZE, 1, VOCAB), dtype=jnp.float32, minval=1e-9, maxval=1.0)
    scores = jax.random.normal(k2, (BEAM_SIZE,), dtype=jnp.float32)
    gen_seq = jax.random.randint(k3, (BEAM_SIZE, MAX_SEQ_LEN), 0, VOCAB, dtype=jnp.int32)
    return {"dec_output": dec_output, "scores": scores, "gen_seq": gen_seq, "step": STEP}


def reference(dec_output, scores, gen_seq, step):
    # Faithful translation of Translator._get_the_best_score_and_idx
    beam_size = BEAM_SIZE
    # top-k over the full target vocabulary for each beam (memory-bound scan of [beam, vocab])
    best_k2_probs, best_k2_idx = jax.lax.top_k(dec_output[:, -1, :], beam_size)
    # accumulate log-prob beam scores: [beam, k] + [beam, 1]
    sc = jnp.log(best_k2_probs).reshape(beam_size, -1) + scores.reshape(beam_size, 1)
    # second top-k over the flattened beam*k candidates
    scores_new, best_k_idx_in_k2 = jax.lax.top_k(sc.reshape(-1), beam_size)
    best_k_r_idxes = best_k_idx_in_k2 // beam_size
    best_k_c_idxes = best_k_idx_in_k2 % beam_size
    best_k_idx = best_k2_idx[best_k_r_idxes, best_k_c_idxes]
    # reorder beam histories and append the newly chosen tokens
    cols = jnp.arange(MAX_SEQ_LEN)
    reordered = gen_seq[best_k_r_idxes, :]
    gen_seq = jnp.where(cols[None, :] < step, reordered, gen_seq)
    gen_seq = jnp.where(cols[None, :] == step, best_k_idx[:, None], gen_seq)
    return (gen_seq, scores_new)

if __name__ == "__main__":
    import jax
    _d = setup_inputs()
    print(jax.jit(kernel)(*tuple(_d.values())))

</pallas_src>

<mosaic_0001>
module attributes {stable_mosaic.version = 14 : i64} {
  func.func @_select_chunks_kernel(%arg0: memref<62x32x32xf32, #tpu.memory_space<vmem>>, %arg1: memref<62x32x32xf32, #tpu.memory_space<vmem>>, %arg2: memref<32x1xf32, #tpu.memory_space<vmem>>, %arg3: memref<32x128xi32, #tpu.memory_space<vmem>>, %arg4: memref<32x128xi32, #tpu.memory_space<vmem>>) attributes {dimension_semantics = [], scalar_prefetch = 0 : i64, scratch_operands = 0 : i64, tpu.core_type = #tpu.core_type<tc>} {
    %get3A = arith.constant 0 : index
    %get3A_0 = arith.constant 0 : index
    %get3A_1 = arith.constant 0 : index
    %get3A_2 = vector.load %arg0[%get3A, %get3A_0, %get3A_1] : memref<62x32x32xf32, #tpu.memory_space<vmem>>, vector<62x32x32xf32>
    %get3A_3 = arith.constant 0 : index
    %get3A_4 = arith.constant 0 : index
    %get3A_5 = arith.constant 0 : index
    %get3A_6 = vector.load %arg1[%get3A_3, %get3A_4, %get3A_5] : memref<62x32x32xf32, #tpu.memory_space<vmem>>, vector<62x32x32xf32>
    %get3A_7 = arith.constant 0 : index
    %get3A_8 = arith.constant 0 : index
    %get3A_9 = vector.load %arg2[%get3A_7, %get3A_8] : memref<32x1xf32, #tpu.memory_space<vmem>>, vector<32x1xf32>
    %broadcast_in_dim3A = vector.shape_cast %get3A_9 : vector<32x1xf32> to vector<1x32x1xf32>
    %add3A = vector.broadcast %broadcast_in_dim3A : vector<1x32x1xf32> to vector<62x32x32xf32>
    %add3A_10 = arith.addf %get3A_6, %add3A : vector<62x32x32xf32>
    %iota3A = tpu.iota {dimensions = array<i32: 0>} : vector<62x32x32xi32>
    %iota3A_11 = tpu.iota {dimensions = array<i32: 1>} : vector<62x32x32xi32>
    %iota3A_12 = tpu.iota {dimensions = array<i32: 2>} : vector<62x32x32xi32>
    %mul3A = arith.constant 32 : i32
    %mul3A_13 = vector.broadcast %mul3A : i32 to vector<62x32x32xi32>
    %mul3A_14 = arith.muli %iota3A, %mul3A_13 : vector<62x32x32xi32>
    %add3A_15 = arith.addi %mul3A_14, %iota3A_12 : vector<62x32x32xi32>
    %iota3A_16 = tpu.iota {dimensions = array<i32: 0>} : vector<32x128xi32>
    %broadcast_in_dim3A_17 = arith.constant 0 : i32
    %broadcast_in_dim3A_18 = vector.broadcast %broadcast_in_dim3A_17 : i32 to vector<32x128xi32>
    %scan3A = arith.constant 0 : i32
    %scan3A_19 = arith.constant 32 : i32
    %scan3A_20 = arith.addi %scan3A, %scan3A_19 : i32
    %scan3A_21 = arith.constant 1 : i32
    %scan3A_22:3 = scf.for %scan3A_29 = %scan3A to %scan3A_20 step %scan3A_21 iter_args(%scan3A_30 = %add3A_10, %scan3A_31 = %broadcast_in_dim3A_18, %scan3A_32 = %broadcast_in_dim3A_18) -> (vector<62x32x32xf32>, vector<32x128xi32>, vector<32x128xi32>)  : i32 {
      %reduce_max3A = vector.shape_cast %scan3A_30 : vector<62x32x32xf32> to vector<1x62x32x32xf32>
      %reduce_max3A_33 = arith.constant dense<0xFF800000> : vector<1xf32>
      %reduce_max3A_34 = vector.multi_reduction <maximumf>, %reduce_max3A, %reduce_max3A_33 [1, 2, 3] : vector<1x62x32x32xf32> to vector<1xf32>
      %reduce_max3A_35 = vector.shape_cast %reduce_max3A_34 : vector<1xf32> to vector<1x1x1x1xf32>
      %reduce_max3A_36 = vector.extract %reduce_max3A_35[0, 0, 0, 0] : f32 from vector<1x1x1x1xf32>
      %eq3A = vector.broadcast %reduce_max3A_36 : f32 to vector<62x32x32xf32>
      %eq3A_37 = arith.cmpf oeq, %scan3A_30, %eq3A : vector<62x32x32xf32>
      %jit3A = arith.constant 1073741824 : i32
      %broadcast_in_dim3A_38 = vector.broadcast %jit3A : i32 to vector<62x32x32xi32>
      %select_n3A = arith.select %eq3A_37, %iota3A_11, %broadcast_in_dim3A_38 : vector<62x32x32xi1>, vector<62x32x32xi32>
      %reduce_min3A = vector.shape_cast %select_n3A : vector<62x32x32xi32> to vector<1x62x32x32xi32>
      %reduce_min3A_39 = arith.constant dense<2147483647> : vector<1xi32>
      %reduce_min3A_40 = vector.multi_reduction <minsi>, %reduce_min3A, %reduce_min3A_39 [1, 2, 3] : vector<1x62x32x32xi32> to vector<1xi32>
      %reduce_min3A_41 = vector.shape_cast %reduce_min3A_40 : vector<1xi32> to vector<1x1x1x1xi32>
      %reduce_min3A_42 = vector.extract %reduce_min3A_41[0, 0, 0, 0] : i32 from vector<1x1x1x1xi32>
      %eq3A_43 = vector.broadcast %reduce_min3A_42 : i32 to vector<62x32x32xi32>
      %eq3A_44 = arith.cmpi eq, %iota3A_11, %eq3A_43 : vector<62x32x32xi32>
      %and3A = arith.andi %eq3A_37, %eq3A_44 : vector<62x32x32xi1>
      %jit3A_45 = arith.constant 0xFF800000 : f32
      %broadcast_in_dim3A_46 = vector.broadcast %jit3A_45 : f32 to vector<62x32x32xf32>
      %select_n3A_47 = arith.select %and3A, %get3A_2, %broadcast_in_dim3A_46 : vector<62x32x32xi1>, vector<62x32x32xf32>
      %reduce_max3A_48 = vector.shape_cast %select_n3A_47 : vector<62x32x32xf32> to vector<1x62x32x32xf32>
      %reduce_max3A_49 = arith.constant dense<0xFF800000> : vector<1xf32>
      %reduce_max3A_50 = vector.multi_reduction <maximumf>, %reduce_max3A_48, %reduce_max3A_49 [1, 2, 3] : vector<1x62x32x32xf32> to vector<1xf32>
      %reduce_max3A_51 = vector.shape_cast %reduce_max3A_50 : vector<1xf32> to vector<1x1x1x1xf32>
      %reduce_max3A_52 = vector.extract %reduce_max3A_51[0, 0, 0, 0] : f32 from vector<1x1x1x1xf32>
      %eq3A_53 = vector.broadcast %reduce_max3A_52 : f32 to vector<62x32x32xf32>
      %eq3A_54 = arith.cmpf oeq, %get3A_2, %eq3A_53 : vector<62x32x32xf32>
      %and3A_55 = arith.andi %and3A, %eq3A_54 : vector<62x32x32xi1>
      %jit3A_56 = arith.constant 1073741824 : i32
      %broadcast_in_dim3A_57 = vector.broadcast %jit3A_56 : i32 to vector<62x32x32xi32>
      %select_n3A_58 = arith.select %and3A_55, %add3A_15, %broadcast_in_dim3A_57 : vector<62x32x32xi1>, vector<62x32x32xi32>
      %reduce_min3A_59 = vector.shape_cast %select_n3A_58 : vector<62x32x32xi32> to vector<1x62x32x32xi32>
      %reduce_min3A_60 = arith.constant dense<2147483647> : vector<1xi32>
      %reduce_min3A_61 = vector.multi_reduction <minsi>, %reduce_min3A_59, %reduce_min3A_60 [1, 2, 3] : vector<1x62x32x32xi32> to vector<1xi32>
      %reduce_min3A_62 = vector.shape_cast %reduce_min3A_61 : vector<1xi32> to vector<1x1x1x1xi32>
      %reduce_min3A_63 = vector.extract %reduce_min3A_62[0, 0, 0, 0] : i32 from vector<1x1x1x1xi32>
      %eq3A_64 = vector.broadcast %scan3A_29 : i32 to vector<32x128xi32>
      %eq3A_65 = arith.cmpi eq, %iota3A_16, %eq3A_64 : vector<32x128xi32>
      %broadcast_in_dim3A_66 = vector.broadcast %reduce_min3A_42 : i32 to vector<32x128xi32>
      %select_n3A_67 = arith.select %eq3A_65, %broadcast_in_dim3A_66, %scan3A_31 : vector<32x128xi1>, vector<32x128xi32>
      %eq3A_68 = vector.broadcast %scan3A_29 : i32 to vector<32x128xi32>
      %eq3A_69 = arith.cmpi eq, %iota3A_16, %eq3A_68 : vector<32x128xi32>
      %broadcast_in_dim3A_70 = vector.broadcast %reduce_min3A_63 : i32 to vector<32x128xi32>
      %select_n3A_71 = arith.select %eq3A_69, %broadcast_in_dim3A_70, %scan3A_32 : vector<32x128xi1>, vector<32x128xi32>
      %eq3A_72 = vector.broadcast %reduce_min3A_42 : i32 to vector<62x32x32xi32>
      %eq3A_73 = arith.cmpi eq, %iota3A_11, %eq3A_72 : vector<62x32x32xi32>
      %eq3A_74 = vector.broadcast %reduce_min3A_63 : i32 to vector<62x32x32xi32>
      %eq3A_75 = arith.cmpi eq, %add3A_15, %eq3A_74 : vector<62x32x32xi32>
      %and3A_76 = arith.andi %eq3A_73, %eq3A_75 : vector<62x32x32xi1>
      %jit3A_77 = arith.constant 0xFF800000 : f32
      %broadcast_in_dim3A_78 = vector.broadcast %jit3A_77 : f32 to vector<62x32x32xf32>
      %select_n3A_79 = arith.select %and3A_76, %broadcast_in_dim3A_78, %scan3A_30 : vector<62x32x32xi1>, vector<62x32x32xf32>
      scf.yield %select_n3A_79, %select_n3A_67, %select_n3A_71 : vector<62x32x32xf32>, vector<32x128xi32>, vector<32x128xi32>
    }
    %scan3A_23 = arith.constant 32 : i32
    %swap3A = arith.constant 0 : index
    %swap3A_24 = arith.constant 0 : index
    %swap3A_25 = vector.load %arg3[%swap3A, %swap3A_24] : memref<32x128xi32, #tpu.memory_space<vmem>>, vector<32x128xi32>
    tpu.vector_store %arg3[%swap3A, %swap3A_24], %scan3A_22#1 {strides = array<i32>} : memref<32x128xi32, #tpu.memory_space<vmem>>, vector<32x128xi32>,
    %swap3A_26 = arith.constant 0 : index
    %swap3A_27 = arith.constant 0 : index
    %swap3A_28 = vector.load %arg4[%swap3A_26, %swap3A_27] : memref<32x128xi32, #tpu.memory_space<vmem>>, vector<32x128xi32>
    tpu.vector_store %arg4[%swap3A_26, %swap3A_27], %scan3A_22#2 {strides = array<i32>} : memref<32x128xi32, #tpu.memory_space<vmem>>, vector<32x128xi32>,
    return
  }
}

module attributes {stable_mosaic.version = 14 : i64} {
  func.func @_chunk_max_kernel(%arg0: i32, %arg1: memref<32x16384xf32, #tpu.memory_space<vmem>>, %arg2: memref<1x32x32xf32, #tpu.memory_space<vmem>>) attributes {dimension_semantics = [#tpu.dimension_semantics<arbitrary>], iteration_bounds = array<i64: 62>, scalar_prefetch = 0 : i64, scratch_operands = 0 : i64, tpu.core_type = #tpu.core_type<tc>, window_params = [{transform_indices = @transform_0, window_bounds = array<i64: 32, 16384>}, {transform_indices = @transform_1, window_bounds = array<i64: 1, 32, 32>}]} {
    %get3A = arith.constant 0 : index
    %get3A_0 = arith.constant 0 : index
    %get3A_1 = vector.load %arg1[%get3A, %get3A_0] : memref<32x16384xf32, #tpu.memory_space<vmem>>, vector<32x16384xf32>
    %iota3A = tpu.iota {dimensions = array<i32: 1>} : vector<32x16384xi32>
    %mul3A = arith.constant 16384 : i32
    %mul3A_2 = arith.muli %arg0, %mul3A : i32
    %add3A = vector.broadcast %mul3A_2 : i32 to vector<32x16384xi32>
    %add3A_3 = arith.addi %iota3A, %add3A : vector<32x16384xi32>
    %lt3A = arith.constant 1000000 : i32
    %lt3A_4 = vector.broadcast %lt3A : i32 to vector<32x16384xi32>
    %lt3A_5 = arith.cmpi slt, %add3A_3, %lt3A_4 : vector<32x16384xi32>
    %jit3A = arith.constant 0.000000e+00 : f32
    %broadcast_in_dim3A = vector.broadcast %jit3A : f32 to vector<32x16384xf32>
    %select_n3A = arith.select %lt3A_5, %get3A_1, %broadcast_in_dim3A : vector<32x16384xi1>, vector<32x16384xf32>
    %reshape3A = vector.shape_cast %select_n3A : vector<32x16384xf32> to vector<32x32x512xf32>
    %reduce_max3A = arith.constant dense<0xFF800000> : vector<32x32xf32>
    %reduce_max3A_6 = vector.multi_reduction <maximumf>, %reshape3A, %reduce_max3A [2] : vector<32x32x512xf32> to vector<32x32xf32>
    %reshape3A_7 = vector.shape_cast %reduce_max3A_6 : vector<32x32xf32> to vector<1x32x32xf32>
    %swap3A = arith.constant 0 : index
    %swap3A_8 = arith.constant 0 : index
    %swap3A_9 = arith.constant 0 : index
    %swap3A_10 = vector.load %arg2[%swap3A, %swap3A_8, %swap3A_9] : memref<1x32x32xf32, #tpu.memory_space<vmem>>, vector<1x32x32xf32>
    tpu.vector_store %arg2[%swap3A, %swap3A_8, %swap3A_9], %reshape3A_7 {strides = array<i32>} : memref<1x32x32xf32, #tpu.memory_space<vmem>>, vector<1x32x32xf32>,
    return
  }
  func.func @transform_0(%arg0: i32) -> (i32, i32) {
    %c0_i32 = arith.constant 0 : i32
    %c0_i32_0 = arith.constant 0 : i32
    return %c0_i32, %arg0 : i32, i32
  }
  func.func @transform_1(%arg0: i32) -> (i32, i32, i32) {
    %c0_i32 = arith.constant 0 : i32
    %c0_i32_0 = arith.constant 0 : i32
    %c0_i32_1 = arith.constant 0 : i32
    return %arg0, %c0_i32, %c0_i32_0 : i32, i32, i32
  }
}

module attributes {stable_mosaic.version = 14 : i64} {
  func.func @_gather_kernel(%arg0: i32, %arg1: memref<32xi32, #tpu.memory_space<smem>>, %arg2: memref<32xi32, #tpu.memory_space<smem>>, %arg3: memref<1x1x512xf32, #tpu.memory_space<vmem>>, %arg4: memref<1x1x512xf32, #tpu.memory_space<vmem>>) attributes {dimension_semantics = [#tpu.dimension_semantics<arbitrary>], iteration_bounds = array<i64: 32>, scalar_prefetch = 2 : i64, scratch_operands = 0 : i64, tpu.core_type = #tpu.core_type<tc>, window_params = [{transform_indices = @transform_0, window_bounds = array<i64: 1, 1, 512>}, {transform_indices = @transform_1, window_bounds = array<i64: 1, 1, 512>}]} {
    %get3A = arith.constant 0 : index
    %get3A_0 = arith.constant 0 : index
    %get3A_1 = arith.constant 0 : index
    %get3A_2 = vector.load %arg3[%get3A, %get3A_0, %get3A_1] : memref<1x1x512xf32, #tpu.memory_space<vmem>>, vector<1x1x512xf32>
    %swap3A = arith.constant 0 : index
    %swap3A_3 = arith.constant 0 : index
    %swap3A_4 = arith.constant 0 : index
    %swap3A_5 = vector.load %arg4[%swap3A, %swap3A_3, %swap3A_4] : memref<1x1x512xf32, #tpu.memory_space<vmem>>, vector<1x1x512xf32>
    tpu.vector_store %arg4[%swap3A, %swap3A_3, %swap3A_4], %get3A_2 {strides = array<i32>} : memref<1x1x512xf32, #tpu.memory_space<vmem>>, vector<1x1x512xf32>,
    return
  }
  func.func @transform_0(%arg0: i32, %arg1: memref<32xi32, #tpu.memory_space<smem>>, %arg2: memref<32xi32, #tpu.memory_space<smem>>) -> (i32, i32, i32) {
    %get3A = arith.index_cast %arg0 : i32 to index
    %get3A_0 = memref.load %arg1[%get3A] : memref<32xi32, #tpu.memory_space<smem>>
    %get3A_1 = arith.index_cast %arg0 : i32 to index
    %get3A_2 = memref.load %arg2[%get3A_1] : memref<32xi32, #tpu.memory_space<smem>>
    %c0_i32 = arith.constant 0 : i32
    %c0_i32_3 = arith.constant 0 : i32
    return %get3A_0, %c0_i32, %get3A_2 : i32, i32, i32
  }
  func.func @transform_1(%arg0: i32, %arg1: memref<32xi32, #tpu.memory_space<smem>>, %arg2: memref<32xi32, #tpu.memory_space<smem>>) -> (i32, i32, i32) {
    %c0_i32 = arith.constant 0 : i32
    %c0_i32_0 = arith.constant 0 : i32
    %c0_i32_1 = arith.constant 0 : i32
    return %arg0, %c0_i32, %c0_i32_0 : i32, i32, i32
  }
}

module attributes {stable_mosaic.version = 14 : i64} {
  func.func @_merge_kernel(%arg0: memref<32x512xf32, #tpu.memory_space<vmem>>, %arg1: memref<32x512xf32, #tpu.memory_space<vmem>>, %arg2: memref<32x1xi32, #tpu.memory_space<vmem>>, %arg3: memref<32x1xi32, #tpu.memory_space<vmem>>, %arg4: memref<32x1xf32, #tpu.memory_space<vmem>>, %arg5: memref<32x200xi32, #tpu.memory_space<vmem>>, %arg6: memref<1x1xi32, #tpu.memory_space<vmem>>, %arg7: memref<32x200xi32, #tpu.memory_space<vmem>>, %arg8: memref<32x128xf32, #tpu.memory_space<vmem>>) attributes {dimension_semantics = [], scalar_prefetch = 0 : i64, scratch_operands = 0 : i64, tpu.core_type = #tpu.core_type<tc>} {
    %get3A = arith.constant 0 : index
    %get3A_0 = arith.constant 0 : index
    %get3A_1 = vector.load %arg0[%get3A, %get3A_0] : memref<32x512xf32, #tpu.memory_space<vmem>>, vector<32x512xf32>
    %iota3A = tpu.iota {dimensions = array<i32: 1>} : vector<32x512xi32>
    %get3A_2 = arith.constant 0 : index
    %get3A_3 = arith.constant 0 : index
    %get3A_4 = vector.load %arg2[%get3A_2, %get3A_3] : memref<32x1xi32, #tpu.memory_space<vmem>>, vector<32x1xi32>
    %get3A_5 = arith.constant 0 : index
    %get3A_6 = arith.constant 0 : index
    %get3A_7 = vector.load %arg3[%get3A_5, %get3A_6] : memref<32x1xi32, #tpu.memory_space<vmem>>, vector<32x1xi32>
    %mul3A = arith.constant 512 : i32
    %mul3A_8 = vector.broadcast %mul3A : i32 to vector<32x1xi32>
    %mul3A_9 = arith.muli %get3A_7, %mul3A_8 : vector<32x1xi32>
    %iota3A_10 = tpu.iota {dimensions = array<i32: 1>} : vector<32x32xi32>
    %iota3A_11 = tpu.iota {dimensions = array<i32: 0>} : vector<32x32xi32>
    %eq3A = vector.broadcast %get3A_4 : vector<32x1xi32> to vector<32x32xi32>
    %eq3A_12 = arith.cmpi eq, %eq3A, %iota3A_10 : vector<32x32xi32>
    %convert_element_type3A = arith.extui %eq3A_12 : vector<32x32xi1> to vector<32x32xi32>
    %convert_element_type3A_13 = arith.sitofp %convert_element_type3A : vector<32x32xi32> to vector<32x32xf32>
    %get3A_14 = arith.constant 0 : index
    %get3A_15 = arith.constant 0 : index
    %get3A_16 = vector.load %arg4[%get3A_14, %get3A_15] : memref<32x1xf32, #tpu.memory_space<vmem>>, vector<32x1xf32>
    %dot_general3A = arith.constant dense<0.000000e+00> : vector<32x1xf32>
    %dot_general3A_17 = tpu.matmul %convert_element_type3A_13, %get3A_16, %dot_general3A {dimension_numbers = #tpu.dot_dimension_numbers<[1], [0], [0], [1], [0, 0, 1, 1], [], []>, precision = #tpu.contract_precision<fp32>, transpose_lhs_hint = false} : vector<32x32xf32>, vector<32x1xf32>, vector<32x1xf32> -> vector<32x1xf32>
    %add3A = vector.broadcast %mul3A_9 : vector<32x1xi32> to vector<32x512xi32>
    %add3A_18 = arith.addi %add3A, %iota3A : vector<32x512xi32>
    %broadcast_in_dim3A = arith.constant 0 : i32
    %broadcast_in_dim3A_19 = vector.broadcast %broadcast_in_dim3A : i32 to vector<32x512xi32>
    %add3A_20 = vector.broadcast %get3A_4 : vector<32x1xi32> to vector<32x512xi32>
    %add3A_21 = arith.addi %add3A_20, %broadcast_in_dim3A_19 : vector<32x512xi32>
    %lt3A = arith.constant 1000000 : i32
    %lt3A_22 = vector.broadcast %lt3A : i32 to vector<32x512xi32>
    %lt3A_23 = arith.cmpi slt, %add3A_18, %lt3A_22 : vector<32x512xi32>
    %get3A_24 = arith.constant 0 : index
    %get3A_25 = arith.constant 0 : index
    %get3A_26 = vector.load %arg1[%get3A_24, %get3A_25] : memref<32x512xf32, #tpu.memory_space<vmem>>, vector<32x512xf32>
    %add3A_27 = vector.broadcast %dot_general3A_17 : vector<32x1xf32> to vector<32x512xf32>
    %add3A_28 = arith.addf %get3A_26, %add3A_27 : vector<32x512xf32>
    %jit3A = arith.constant 0xFF800000 : f32
    %broadcast_in_dim3A_29 = vector.broadcast %jit3A : f32 to vector<32x512xf32>
    %select_n3A = arith.select %lt3A_23, %add3A_28, %broadcast_in_dim3A_29 : vector<32x512xi1>, vector<32x512xf32>
    %iota3A_30 = tpu.iota {dimensions = array<i32: 0>} : vector<32x128xi32>
    %broadcast_in_dim3A_31 = arith.constant 0.000000e+00 : f32
    %broadcast_in_dim3A_32 = vector.broadcast %broadcast_in_dim3A_31 : f32 to vector<32x32xf32>
    %broadcast_in_dim3A_33 = arith.constant 0 : i32
    %broadcast_in_dim3A_34 = vector.broadcast %broadcast_in_dim3A_33 : i32 to vector<32x128xi32>
    %broadcast_in_dim3A_35 = arith.constant 0.000000e+00 : f32
    %broadcast_in_dim3A_36 = vector.broadcast %broadcast_in_dim3A_35 : f32 to vector<32x128xf32>
    %scan3A = arith.constant 0 : i32
    %scan3A_37 = arith.constant 32 : i32
    %scan3A_38 = arith.addi %scan3A, %scan3A_37 : i32
    %scan3A_39 = arith.constant 1 : i32
    %scan3A_40:4 = scf.for %scan3A_67 = %scan3A to %scan3A_38 step %scan3A_39 iter_args(%scan3A_68 = %select_n3A, %scan3A_69 = %broadcast_in_dim3A_32, %scan3A_70 = %broadcast_in_dim3A_34, %scan3A_71 = %broadcast_in_dim3A_36) -> (vector<32x512xf32>, vector<32x32xf32>, vector<32x128xi32>, vector<32x128xf32>)  : i32 {
      %reduce_max3A = vector.shape_cast %scan3A_68 : vector<32x512xf32> to vector<1x32x512xf32>
      %reduce_max3A_72 = arith.constant dense<0xFF800000> : vector<1xf32>
      %reduce_max3A_73 = vector.multi_reduction <maximumf>, %reduce_max3A, %reduce_max3A_72 [1, 2] : vector<1x32x512xf32> to vector<1xf32>
      %reduce_max3A_74 = vector.shape_cast %reduce_max3A_73 : vector<1xf32> to vector<1x1x1xf32>
      %reduce_max3A_75 = vector.extract %reduce_max3A_74[0, 0, 0] : f32 from vector<1x1x1xf32>
      %eq3A_76 = vector.broadcast %reduce_max3A_75 : f32 to vector<32x512xf32>
      %eq3A_77 = arith.cmpf oeq, %scan3A_68, %eq3A_76 : vector<32x512xf32>
      %jit3A_78 = arith.constant 1073741824 : i32
      %broadcast_in_dim3A_79 = vector.broadcast %jit3A_78 : i32 to vector<32x512xi32>
      %select_n3A_80 = arith.select %eq3A_77, %add3A_21, %broadcast_in_dim3A_79 : vector<32x512xi1>, vector<32x512xi32>
      %reduce_min3A = vector.shape_cast %select_n3A_80 : vector<32x512xi32> to vector<1x32x512xi32>
      %reduce_min3A_81 = arith.constant dense<2147483647> : vector<1xi32>
      %reduce_min3A_82 = vector.multi_reduction <minsi>, %reduce_min3A, %reduce_min3A_81 [1, 2] : vector<1x32x512xi32> to vector<1xi32>
      %reduce_min3A_83 = vector.shape_cast %reduce_min3A_82 : vector<1xi32> to vector<1x1x1xi32>
      %reduce_min3A_84 = vector.extract %reduce_min3A_83[0, 0, 0] : i32 from vector<1x1x1xi32>
      %eq3A_85 = vector.broadcast %reduce_min3A_84 : i32 to vector<32x512xi32>
      %eq3A_86 = arith.cmpi eq, %add3A_21, %eq3A_85 : vector<32x512xi32>
      %and3A = arith.andi %eq3A_77, %eq3A_86 : vector<32x512xi1>
      %jit3A_87 = arith.constant 0xFF800000 : f32
      %broadcast_in_dim3A_88 = vector.broadcast %jit3A_87 : f32 to vector<32x512xf32>
      %select_n3A_89 = arith.select %and3A, %get3A_1, %broadcast_in_dim3A_88 : vector<32x512xi1>, vector<32x512xf32>
      %reduce_max3A_90 = vector.shape_cast %select_n3A_89 : vector<32x512xf32> to vector<1x32x512xf32>
      %reduce_max3A_91 = arith.constant dense<0xFF800000> : vector<1xf32>
      %reduce_max3A_92 = vector.multi_reduction <maximumf>, %reduce_max3A_90, %reduce_max3A_91 [1, 2] : vector<1x32x512xf32> to vector<1xf32>
      %reduce_max3A_93 = vector.shape_cast %reduce_max3A_92 : vector<1xf32> to vector<1x1x1xf32>
      %reduce_max3A_94 = vector.extract %reduce_max3A_93[0, 0, 0] : f32 from vector<1x1x1xf32>
      %eq3A_95 = vector.broadcast %reduce_max3A_94 : f32 to vector<32x512xf32>
      %eq3A_96 = arith.cmpf oeq, %get3A_1, %eq3A_95 : vector<32x512xf32>
      %and3A_97 = arith.andi %and3A, %eq3A_96 : vector<32x512xi1>
      %jit3A_98 = arith.constant 1073741824 : i32
      %broadcast_in_dim3A_99 = vector.broadcast %jit3A_98 : i32 to vector<32x512xi32>
      %select_n3A_100 = arith.select %and3A_97, %add3A_18, %broadcast_in_dim3A_99 : vector<32x512xi1>, vector<32x512xi32>
      %reduce_min3A_101 = vector.shape_cast %select_n3A_100 : vector<32x512xi32> to vector<1x32x512xi32>
      %reduce_min3A_102 = arith.constant dense<2147483647> : vector<1xi32>
      %reduce_min3A_103 = vector.multi_reduction <minsi>, %reduce_min3A_101, %reduce_min3A_102 [1, 2] : vector<1x32x512xi32> to vector<1xi32>
      %reduce_min3A_104 = vector.shape_cast %reduce_min3A_103 : vector<1xi32> to vector<1x1x1xi32>
      %reduce_min3A_105 = vector.extract %reduce_min3A_104[0, 0, 0] : i32 from vector<1x1x1xi32>
      %eq3A_106 = vector.broadcast %scan3A_67 : i32 to vector<32x32xi32>
      %eq3A_107 = arith.cmpi eq, %iota3A_11, %eq3A_106 : vector<32x32xi32>
      %eq3A_108 = vector.broadcast %reduce_min3A_84 : i32 to vector<32x32xi32>
      %eq3A_109 = arith.cmpi eq, %iota3A_10, %eq3A_108 : vector<32x32xi32>
      %and3A_110 = arith.andi %eq3A_107, %eq3A_109 : vector<32x32xi1>
      %jit3A_111 = arith.constant 1.000000e+00 : f32
      %broadcast_in_dim3A_112 = vector.broadcast %jit3A_111 : f32 to vector<32x32xf32>
      %select_n3A_113 = arith.select %and3A_110, %broadcast_in_dim3A_112, %scan3A_69 : vector<32x32xi1>, vector<32x32xf32>
      %eq3A_114 = vector.broadcast %scan3A_67 : i32 to vector<32x128xi32>
      %eq3A_115 = arith.cmpi eq, %iota3A_30, %eq3A_114 : vector<32x128xi32>
      %broadcast_in_dim3A_116 = vector.broadcast %reduce_min3A_105 : i32 to vector<32x128xi32>
      %select_n3A_117 = arith.select %eq3A_115, %broadcast_in_dim3A_116, %scan3A_70 : vector<32x128xi1>, vector<32x128xi32>
      %eq3A_118 = vector.broadcast %scan3A_67 : i32 to vector<32x128xi32>
      %eq3A_119 = arith.cmpi eq, %iota3A_30, %eq3A_118 : vector<32x128xi32>
      %broadcast_in_dim3A_120 = vector.broadcast %reduce_max3A_75 : f32 to vector<32x128xf32>
      %select_n3A_121 = arith.select %eq3A_119, %broadcast_in_dim3A_120, %scan3A_71 : vector<32x128xi1>, vector<32x128xf32>
      %eq3A_122 = vector.broadcast %reduce_min3A_84 : i32 to vector<32x512xi32>
      %eq3A_123 = arith.cmpi eq, %add3A_21, %eq3A_122 : vector<32x512xi32>
      %eq3A_124 = vector.broadcast %reduce_min3A_105 : i32 to vector<32x512xi32>
      %eq3A_125 = arith.cmpi eq, %add3A_18, %eq3A_124 : vector<32x512xi32>
      %and3A_126 = arith.andi %eq3A_123, %eq3A_125 : vector<32x512xi1>
      %jit3A_127 = arith.constant 0xFF800000 : f32
      %broadcast_in_dim3A_128 = vector.broadcast %jit3A_127 : f32 to vector<32x512xf32>
      %select_n3A_129 = arith.select %and3A_126, %broadcast_in_dim3A_128, %scan3A_68 : vector<32x512xi1>, vector<32x512xf32>
      scf.yield %select_n3A_129, %select_n3A_113, %select_n3A_117, %select_n3A_121 : vector<32x512xf32>, vector<32x32xf32>, vector<32x128xi32>, vector<32x128xf32>
    }
    %scan3A_41 = arith.constant 32 : i32
    %get3A_42 = arith.constant 0 : index
    %get3A_43 = arith.constant 0 : index
    %get3A_44 = vector.load %arg5[%get3A_42, %get3A_43] : memref<32x200xi32, #tpu.memory_space<vmem>>, vector<32x200xi32>
    %convert_element_type3A_45 = arith.sitofp %get3A_44 : vector<32x200xi32> to vector<32x200xf32>
    %dot_general3A_46 = arith.constant dense<0.000000e+00> : vector<32x200xf32>
    %dot_general3A_47 = tpu.matmul %scan3A_40#1, %convert_element_type3A_45, %dot_general3A_46 {dimension_numbers = #tpu.dot_dimension_numbers<[1], [0], [0], [1], [0, 0, 1, 1], [], []>, precision = #tpu.contract_precision<fp32>, transpose_lhs_hint = false} : vector<32x32xf32>, vector<32x200xf32>, vector<32x200xf32> -> vector<32x200xf32>
    %convert_element_type3A_48 = arith.fptosi %dot_general3A_47 : vector<32x200xf32> to vector<32x200xi32>
    %iota3A_49 = tpu.iota {dimensions = array<i32: 1>} : vector<32x200xi32>
    %get3A_50 = arith.constant 0 : index
    %get3A_51 = arith.constant 0 : index
    %get3A_52 = vector.load %arg6[%get3A_50, %get3A_51] : memref<1x1xi32, #tpu.memory_space<vmem>>, vector<1x1xi32>
    %get3A_53 = vector.extract %get3A_52[0, 0] : i32 from vector<1x1xi32>
    %lt3A_54 = vector.broadcast %get3A_53 : i32 to vector<32x200xi32>
    %lt3A_55 = arith.cmpi slt, %iota3A_49, %lt3A_54 : vector<32x200xi32>
    %select_n3A_56 = arith.select %lt3A_55, %convert_element_type3A_48, %get3A_44 : vector<32x200xi1>, vector<32x200xi32>
    %eq3A_57 = vector.broadcast %get3A_53 : i32 to vector<32x200xi32>
    %eq3A_58 = arith.cmpi eq, %iota3A_49, %eq3A_57 : vector<32x200xi32>
    %slice3A = vector.extract_strided_slice %scan3A_40#2 {offsets = [0, 0], sizes = [32, 1], strides = [1, 1]} : vector<32x128xi32> to vector<32x1xi32>
    %broadcast_in_dim3A_59 = vector.shape_cast %slice3A : vector<32x1xi32> to vector<32x1xi32>
    %broadcast_in_dim3A_60 = vector.broadcast %broadcast_in_dim3A_59 : vector<32x1xi32> to vector<32x200xi32>
    %select_n3A_61 = arith.select %eq3A_58, %broadcast_in_dim3A_60, %select_n3A_56 : vector<32x200xi1>, vector<32x200xi32>
    %swap3A = arith.constant 0 : index
    %swap3A_62 = arith.constant 0 : index
    %swap3A_63 = vector.load %arg7[%swap3A, %swap3A_62] : memref<32x200xi32, #tpu.memory_space<vmem>>, vector<32x200xi32>
    tpu.vector_store %arg7[%swap3A, %swap3A_62], %select_n3A_61 {strides = array<i32>} : memref<32x200xi32, #tpu.memory_space<vmem>>, vector<32x200xi32>,
    %swap3A_64 = arith.constant 0 : index
    %swap3A_65 = arith.constant 0 : index
    %swap3A_66 = vector.load %arg8[%swap3A_64, %swap3A_65] : memref<32x128xf32, #tpu.memory_space<vmem>>, vector<32x128xf32>
    tpu.vector_store %arg8[%swap3A_64, %swap3A_65], %scan3A_40#3 {strides = array<i32>} : memref<32x128xf32, #tpu.memory_space<vmem>>, vector<32x128xf32>,
    return
  }
}

</mosaic_0001>

<sc_bundles>
// kernel: sparse-core-data-format-call.cloned.1.call-start
scs
called_computation_lowered:
.L_overlay_start_0:
0x0: {  	s2 =	sld [smem:$0x3FD9]  }
0x1: {  	s3 =	sld [smem:$0x3FFE];
	_ =	sdelay $0x1  }
0x2: {  	s1 =	srdreg.scid  }
0x3: {  	s0 =	sand.u32 $0x1, s1  }
0x4: {  	s18 =	sshll.u32 s0, $0xA;
	s2 =	sadd.s32 s3, s2  }
0x5: {  	s2 =	sadd.s32 s2, s18  }
0x6: {  	[smem:$0x3FC4] =	sst s2  }
0x7: {  	_ = 	snop  }
0x8: {  	s2 =	sld [smem:$0x3FC9];
	(tm) =	ssettm $0x1  }
0x9: {  	s19 =	sld [smem:$0x3FFB];
	_ =	sdelay $0x3  }
0xa: {  	_ =	strace s19  }
0xb: {  	s3 =	sld [smem:$0x3FFC];
	_ =	sdelay $0x3  }
0xc: {  	_ =	strace s3  }
0xd: {  	s3 =	sld [smem:$0x3FFD];
	_ =	sdelay $0x3  }
0xe: {  	_ =	strace s3  }
0xf: {  	_ =	strace $0x8FFFFFFF  }
0x10: {  	s20 =	sld [smem:$0x3FDB];
	_ =	sdelay $0x1  }
0x11: {  	s4 =	simm.s32 $_scs_section_size  }
0x12: {  	s5 =	simm.s32 $_size__tile_overlayer_lowered;
	s6 =	simm.s32 $_tile_overlayer_lowered  }
0x13: {  	s23 =	simm.s32 $0x1BFF;
	s22 =	sshll.u32 s6, $0x1;
	s3 =	sadd.s32 s4, s20  }
0x14: {  	s7 =	simm.s32 $0x0;
	s21 =	sshll.u32 s5, $0x1;
	s5 =	sadd.s32 s22, s3  }
0x15: {  	[timem:s7], [sflag:s23] =	dma.local [hbm:s5], s21  }
0x16: {  	_ =	swait.ge [sflag:s23], s21  }
0x17: {  	s4 =	ssub.s32 $0x0, s21;
	[sflag:s23] =	ssyncset.done $0x0  }
0x18: {  	[sflag:s23] =	ssyncadd.s32 s4;
	_ =	sdelay $0x1  }
0x19: {  	s24 =	simm.s32 $0x1B8B  }
0x1a: {  	_ =	swait.ge [sflag:s24], $0x1  }
0x1b: {  	[sflag:s24] =	ssyncset.done $0x0  }
0x1c: {  	s26 =	simm.s32 $0x1B8E;
	s25 =	sld [smem:$0x3FFE];
	[sflag:s24] =	ssyncadd.s32 $0xFFFFFFFF  }
0x1d: {  	s27 =	simm.s32 $execute0_lowered;
	[smem:$0x3FD2] =	sst s26  }
0x1e: {  	s5 =	sshll.u32 s27, $0x1;
	_ =	strace $0x80000046;
	[dreg:$0x1] =	wrdreg $0xFFFFFFFF  }
0x1f: {  	s28 =	simm.s32 $_size_execute0_lowered;
	s3 =	sadd.s32 s3, s5;
	[dreg:$0x0] =	wrdreg $0x0  }
0x20: {  	s5 =	sshll.u32 s28, $0x1;
	[dreg:$0x2] =	wrdreg s3  }
0x21: {  	[dreg:$0x3] =	wrdreg s5  }
0x22: {  	[dreg:$0x4] =	wrdreg $0xC0  }
0x23: {  	_ =	task [dreg:s7], $0x5FFFF  }
0x24: {  	[dreg:$0x1] =	wrdreg $0xFFFFFFFF  }
0x25: {  	[dreg:$0x0] =	wrdreg $0x60  }
0x26: {  	[dreg:$0x2] =	wrdreg s2  }
0x27: {  	[dreg:$0x3] =	wrdreg s25  }
0x28: {  	[dreg:$0x4] =	wrdreg $0x9  }
0x29: {  	_ =	task.clear_ibuf [dreg:s7], $0x5FFFF;
	_ =	strace $0x90000046  }
0x2a: {  	s29 =	simm.s32 $0x9;
	_ =	strace $0x80000048  }
0x2b: {  	_ =	swait.ge [sflag:s29], $0x1  }
0x2c: {  	[sflag:s29] =	ssyncadd.s32 $0xFFFFFFFF  }
0x2d: {  	_ =	strace $0x90000048  }
0x2e: {  	_ =	sfence  }
0x2f: {  	s30 =	sld [smem:$0x0];
	_ =	sdelay $0x2  }
0x30: {  	s31 =	sshll.u32 s1, $0xD;
	s1 =	sshrl.u32 s1, $0x2  }
0x31: {  	s3 =	sand.u32 $0x4000, s31;
	s1 =	sadd.s32 s1, s30  }
0x32: {  	s0 =	sor.u32 s3, s0;
	s1 =	sshll.u32 s1, $0x11  }
0x33: {  	s0 =	sor.u32 s1, s0  }
0x34: {  	s0 =	sadd.s32 $0x8F2B, s0  }
0x35: {  	[sflag:s0] =	ssyncadd.remote.s32 $0x1  }
0x36: {  	_ =	sfence.sel $0xFFFF  }
0x37: {  	[dreg:$0x0] =	wrdreg $0xFFFFFFFF;
	(pc) =	sbr.abs _section_cstart, $3  }
0x38: {  	[dreg:$0x1] =	wrdreg $0xFFFFFFFF  }
0x39: {  	_ =	task.clear_ibuf [dreg:s7], $0x2FFFF;
	_ =	strace $0x9FFFFFFF  }
0x3a: {  	(tm) =	ssettm $0x7FFFFFFF  }
0x3b: {  	_ =	shalt  }
tec
execute0_lowered:
.L_overlay_start_1:
0x0: {  	(tag) =	ssettag $0x1  }
0x1: {  	s2 =	rddreg [dreg:$0x0]  }
0x2: {  	s0 =	srdreg.scid;
	s3 =	rddreg [dreg:$0x1];
	s5 =	simm.s32 $0x1  }
0x3: {  	s7 =	simm.s32 $0x2;
	s13 =	simm.s32 $0x0;
	s1 =	sshll.u32 s0, $0x4  }
0x4: {  	s8 =	simm.s32 $0x7A1400;
	s0 =	stileid.u32;
	s1 =	sand.u32 $0x10, s1  }
.Ltmp0:
0x5: {  	s9 =	simm.s32 $0x0;
	s4 =	sor.u32 s0, s1;
	(pc) =	sbr.rel .LBB1_1-.Ltmp0, $4  }
0x6: {  	s14 =	simm.s32 $0x0;
	s11 =	simm.s32 $0x0;
	s4 =	sshll.u32 s4, $0x7  }
0x7: {  	s1 =	rddreg [dreg:$0x2];
	_ =	strace $0x80000047;
	s6 =	ssub.s32 $0xF4200, s4  }
0x8: {  	s12 =	simm.s32 $0x0;
	[sflag:s5] =	ssyncpa.u1 $0x0;
	s6 =	sshrl.u32 s6, $0xC  }
0x9: {  	[sflag:s7] =	ssyncpa.u1 $0x0;
	s10 =	smov.u32 s4;
	s7 =	sadd.s32 $0x2, s6  }
.LBB1_5:
0xa: {  	s15 =	sadd.s32 $0x1000, s10  }
0xb: {  	s13 =	sadd.s32 $0x20, s11;
	s17 =	smov.u32 s11;
	p1 =	sgt.s32 s15, $0xF423F  }
0xc: {  	s17 =	smov.u32 @p1 s13  }
0xd: {  	s15 =	smov.u32 @p1 s4;
	p1 =	sgt.s32 s17, $0x1F  }
0xe: {  	s17 =	simm.s32 @p1 $0x0;
	p1 =	sne.s32 s12, s7  }
.Ltmp1:
0xf: {  	p0 =	slt.u32 s12, $0x2;
	(pc) =	sbr.rel @!p1 .LBB1_6-.Ltmp1, $4  }
0x10: {  	s16 =	simm.s32 @!p0 $0x2  }
0x11: {  	s14 =	smov.u32 s11;
	s9 =	sadd.s32 $0x1000, s9;
	_ =	swait.ge @!p0 [sflag:s16], $0x1000  }
0x12: {  	s13 =	smov.u32 s10;
	[sflag:s16] =	ssyncset.done @!p0 $0x0;
	s10 =	smov.u32 s15  }
0x13: {  	s12 =	sadd.s32 $0x1, s12;
	[sflag:s16] =	ssyncadd.s32 @!p0 $0xFFFFF000;
	s11 =	smov.u32 s17  }
.LBB1_1:
0x14: {  	p0 =	sgt.u32 s12, s6  }
0x15: {  	s15 =	smulhi.u32 @!p0 $0x218D6287, s10;
	_ =	sdelay $0x1  }
0x16: {  	s15 =	sshrl.u32 @!p0 s15, $0x11  }
0x17: {  	s15 =	smul.u32 @!p0 $0xF4280, s15  }
0x18: {  	s16 =	sxor.u32 @!p0 $0xFFFFFFFF, s12  }
0x19: {  	s17 =	smul.u32 @!p0 $0x1E850, s11;
	s16 =	sshll.u32 @!p0 s16, $0xC;
	s15 =	ssub.s32 @!p0 s10, s15  }
0x1a: {  	s16 =	sand.u32 @!p0 $0x1000, s16;
	s18 =	sand.u32 @!p0 $0x7, s15  }
0x1b: {  	s17 =	sadd.s32 @!p0 s2, s17;
	s15 =	sshrl.u32 @!p0 s15, $0x3;
	s18 =	sshll.u32 @!p0 s18, $0x12  }
0x1c: {  	s15 =	sadd.s32 @!p0 s15, s17;
	s17 =	sor.u32 @!p0 $0x80, s18;
	s18 =	simm.s32 @!p0 $0xF4280  }
0x1d: {  	[tilespmem:s16], [sflag:$0x1] =	stream.strided.gather @!p0 [hbm4b:s15+s17], $0x1000, s18, s17, $0x38;
	[tilespmem:$0x4000] =	vst v63  }
0x1e: {  	p0 =	seq.s32 s12, $0x0  }
0x1f: {  	p1 =	sge.u32 @!p0 s12, s7  }
0x20: {  	p0 =	por p0, p1  }
.Ltmp2:
0x21: {  	_ = 	snop;
	(pc) =	sbr.rel @p0 .LBB1_5-.Ltmp2, $1  }
0x22: {  	_ =	sdelay $0x3  }
0x23: {  	s15 =	sand.u32 $0x1000, s9  }
0x24: {  	s16 =	sor.u32 $0x70, s15  }
0x25: {  	v1 =	vmov s16;
	_ =	sdelay $0x1  }
0x26: {  	_ =	swait.ge [sflag:s5], $0x1000  }
0x27: {  	[sflag:s5] =	ssyncset.done $0x0  }
0x28: {  	s17 =	simm.s32 $0x0;
	[sflag:s5] =	ssyncadd.s32 $0xFFFFF000  }
0x29: {  	s15 =	sor.u32 $0x2040, s15;
	v6 =	vld.idx.msk [tilespmem:v1+s17+$0x0 ss:$0x1], $0xffff  }
0x2a: {  	v0 =	vmov s15;
	v8 =	vld.idx.msk [tilespmem:v1+s17+$0xFFFFFF90 ss:$0x1], $0xffff  }
0x2b: {  	v7 =	vld.idx.msk [tilespmem:v1+s17+$0xFFFFFFA0 ss:$0x1], $0xffff  }
0x2c: {  	v5 =	vld.idx.msk [tilespmem:v1+s17+$0xFFFFFFB0 ss:$0x1], $0xffff  }
0x2d: {  	v4 =	vld.idx.msk [tilespmem:v1+s17+$0xFFFFFFC0 ss:$0x1], $0xffff  }
0x2e: {  	s31 =	sshll.u32 s12, $0xC;
	v2 =	vld.idx.msk [tilespmem:v1+s17+$0xFFFFFFD0 ss:$0x1], $0xffff  }
0x2f: {  	s15 =	sand.u32 $0x1000, s31;
	v3 =	vld.idx.msk [tilespmem:v1+s17+$0xFFFFFFE0 ss:$0x1], $0xffff;
	[tilespmem:v0+s17+$0x30 ss:$0x1] =	vst.idx.msk $0xffff, v6  }
0x30: {  	s18 =	simm.s32 $0x400;
	s16 =	simm.s32 $0x80;
	s15 =	sor.u32 $0x2000, s15;
	[tilespmem:v0+s17+$0xFFFFFFC0 ss:$0x1] =	vst.idx.msk $0xffff, v8;
	v6 =	vld.idx.msk [tilespmem:v1+s17+$0xFFFFFFF0 ss:$0x1], $0xffff  }
.LBB1_3:
0x31: {  	p0 =	sne.s32 s18, $0x3E00;
	v8 =	vld.idx.msk [tilespmem:v1+s16+$0x0 ss:$0x1], $0xffff;
	[tilespmem:v0+s17+$0xFFFFFFD0 ss:$0x1] =	vst.idx.msk $0xffff, v7  }
0x32: {  	v9 =	vld.idx.msk [tilespmem:v1+s16+$0xFFFFFF90 ss:$0x1], $0xffff;
	[tilespmem:v0+s17+$0xFFFFFFE0 ss:$0x1] =	vst.idx.msk $0xffff, v5  }
0x33: {  	v7 =	vld.idx.msk [tilespmem:v1+s16+$0xFFFFFFA0 ss:$0x1], $0xffff;
	[tilespmem:v0+s17+$0xFFFFFFF0 ss:$0x1] =	vst.idx.msk $0xffff, v4  }
.Ltmp3:
0x34: {  	v5 =	vld.idx.msk [tilespmem:v1+s16+$0xFFFFFFB0 ss:$0x1], $0xffff;
	[tilespmem:v0+s17+$0x0 ss:$0x1] =	vst.idx.msk $0xffff, v2;
	(pc) =	sbr.rel @p0 .LBB1_3-.Ltmp3, $4  }
0x35: {  	v4 =	vld.idx.msk [tilespmem:v1+s16+$0xFFFFFFC0 ss:$0x1], $0xffff;
	[tilespmem:v0+s17+$0x10 ss:$0x1] =	vst.idx.msk $0xffff, v3  }
0x36: {  	v2 =	vld.idx.msk [tilespmem:v1+s16+$0xFFFFFFD0 ss:$0x1], $0xffff;
	[tilespmem:v0+s17+$0x20 ss:$0x1] =	vst.idx.msk $0xffff, v6;
	s17 =	smov.u32 s16  }
0x37: {  	v3 =	vld.idx.msk [tilespmem:v1+s17+$0xFFFFFFE0 ss:$0x1], $0xffff;
	[tilespmem:v0+s17+$0x30 ss:$0x1] =	vst.idx.msk $0xffff, v8  }
0x38: {  	s16 =	sshra.s32 s18, $0x2;
	s18 =	sadd.s32 $0x200, s18;
	[tilespmem:v0+s17+$0xFFFFFFC0 ss:$0x1] =	vst.idx.msk $0xffff, v9;
	v6 =	vld.idx.msk [tilespmem:v1+s17+$0xFFFFFFF0 ss:$0x1], $0xffff  }
0x39: {  	_ =	sdelay $0x2  }
0x3a: {  	s18 =	sshrl.u32 s14, $0x3  }
0x3b: {  	[tilespmem:v0+s17+$0xFFFFFFD0 ss:$0x1] =	vst.idx.msk $0xffff, v7;
	s19 =	sshll.u32 s13, $0x3;
	s18 =	smul.u32 $0x7A1400, s18  }
0x3c: {  	v56 =	vld.idx.msk [tilespmem:v1+s16+$0x0 ss:$0x1], $0xffff;
	[tilespmem:v0+s17+$0xFFFFFFE0 ss:$0x1] =	vst.idx.msk $0xffff, v5;
	s29 =	sshll.u32 s14, $0x7;
	s19 =	sand.u32 $0xFFFFFC00, s19  }
0x3d: {  	v57 =	vld.idx.msk [tilespmem:v1+s16+$0xFFFFFF90 ss:$0x1], $0xffff;
	[tilespmem:v0+s17+$0xFFFFFFF0 ss:$0x1] =	vst.idx.msk $0xffff, v4;
	s14 =	sand.u32 $0x380, s29;
	s18 =	sadd.s32 s18, s19  }
0x3e: {  	v58 =	vld.idx.msk [tilespmem:v1+s16+$0xFFFFFFA0 ss:$0x1], $0xffff;
	s30 =	sand.u32 $0x7F, s13;
	[tilespmem:v0+s17+$0x0 ss:$0x1] =	vst.idx.msk $0xffff, v2;
	s14 =	sor.u32 s14, s18  }
0x3f: {  	v59 =	vld.idx.msk [tilespmem:v1+s16+$0xFFFFFFB0 ss:$0x1], $0xffff;
	[tilespmem:v0+s17+$0x10 ss:$0x1] =	vst.idx.msk $0xffff, v3;
	s13 =	sor.u32 s30, s14  }
0x40: {  	v60 =	vld.idx.msk [tilespmem:v1+s16+$0xFFFFFFC0 ss:$0x1], $0xffff;
	[tilespmem:v0+s17+$0x20 ss:$0x1] =	vst.idx.msk $0xffff, v6;
	s31 =	smulhi.u32 $0x218D6287, s13  }
0x41: {  	v61 =	vld.idx.msk [tilespmem:v1+s16+$0xFFFFFFD0 ss:$0x1], $0xffff;
	[tilespmem:v0+s16+$0x30 ss:$0x1] =	vst.idx.msk $0xffff, v56  }
0x42: {  	v62 =	vld.idx.msk [tilespmem:v1+s16+$0xFFFFFFE0 ss:$0x1], $0xffff;
	[tilespmem:v0+s16+$0xFFFFFFC0 ss:$0x1] =	vst.idx.msk $0xffff, v57;
	s14 =	smulhi.u32 $0x218D6287, s14;
	s17 =	sshrl.u32 s31, $0x11  }
0x43: {  	v63 =	vld.idx.msk [tilespmem:v1+s16+$0xFFFFFFF0 ss:$0x1], $0xffff;
	[tilespmem:v0+s16+$0xFFFFFFD0 ss:$0x1] =	vst.idx.msk $0xffff, v58;
	s17 =	smul.u32 $0xF4280, s17  }
0x44: {  	[tilespmem:v0+s16+$0xFFFFFFE0 ss:$0x1] =	vst.idx.msk $0xffff, v59;
	s14 =	sshrl.u32 s14, $0x11  }
.Ltmp4:
0x45: {  	[tilespmem:v0+s16+$0xFFFFFFF0 ss:$0x1] =	vst.idx.msk $0xffff, v60;
	s14 =	sand.u32 $0x1F, s14;
	s13 =	ssub.s32 s13, s17;
	(pc) =	sbr.rel .LBB1_5-.Ltmp4, $4  }
0x46: {  	[tilespmem:v0+s16+$0x0 ss:$0x1] =	vst.idx.msk $0xffff, v61;
	s14 =	smul.u32 $0x1E850, s14;
	s17 =	sshrl.u32 s13, $0x3;
	s13 =	sand.u32 $0x7, s13  }
0x47: {  	[tilespmem:v0+s16+$0x10 ss:$0x1] =	vst.idx.msk $0xffff, v62;
	s17 =	sadd.s32 s3, s17;
	s13 =	sshll.u32 s13, $0x12  }
0x48: {  	[tilespmem:v0+s16+$0x20 ss:$0x1] =	vst.idx.msk $0xffff, v63;
	s14 =	sadd.s32 s14, s17;
	s13 =	sor.u32 $0x400, s13  }
0x49: {  	[hbm4b:s14+s13] =	stream.strided.scatter [tilespmem:s15], [sflag:$0x2], $0x1000, s8, s13, $0x38;
	[tilespmem:$0x4000] =	vst v63  }
.LBB1_6:
0x4a: {  	_ =	sfence.sel $0x180000  }
0x4b: {  	s2 =	simm.s32 $0x1;
	[bflag:$0x0] =	sbarrier.arrive $0xFFFF  }
0x4c: {  	s31 =	simm.s32 $0x2;
	[sflag:s2] =	ssyncpa.u1 $0x1  }
0x4d: {  	[sflag:s31] =	ssyncpa.u1 $0x1  }
0x4e: {  	p0 =	sne.s32 s0, $0x0;
	_ =	strace $0x90000047  }
0x4f: {  	s0 =	sadd.s32 @!p0 $0x100000, s1;
	[bflag:$0x2] =	sbarrier.arrive $0xFFFF  }
0x50: {  	[sflag:s0] =	ssyncadd.tile.s32 @!p0 $0x1;
	_ =	shalt  }
.Lfunc_end1:
_tile_overlayer_lowered:
.L_overlay_start_2:
0x51: {  	(tag) =	ssettag $0x2  }
0x52: {  	s0 =	rddreg [dreg:$0x0];
	s2 =	stileid.u32  }
0x53: {  	s1 =	rddreg [dreg:$0x1];
	p0 =	sne.s32 s2, $0x0  }
0x54: {  	s3 =	rddreg [dreg:$0x2];
	[bflag:$0x3] =	sbarrier.arrive $0xFFFF;
	s2 =	simm.s32 @!p0 $0x1C01  }
0x55: {  	[timem:s3], [sflag:s2] =	dma.local @!p0 [hbm:s0], s1  }
0x56: {  	s0 =	simm.s32 @!p0 $0x1  }
0x57: {  	_ =	swait.ge @!p0 [sflag:s0], s1  }
0x58: {  	s1 =	ssub.s32 @!p0 $0x0, s1;
	[sflag:s0] =	ssyncset.done @!p0 $0x0  }
0x59: {  	[sflag:s0] =	ssyncadd.s32 @!p0 s1  }
0x5a: {  	[bflag:$0x3] =	sbarrier.arrive $0xFFFF  }
0x5b: {  	_ =	shalt  }

</sc_bundles>
